<compile_context>
chip_gen: v7x
topology: tpu7x:2x2x1
jax: 0.10.2.dev20260603
libtpu: 0.0.44.dev20260713+nightly
codegen_flags: <defaults>
</compile_context>

<pallas_src>
import jax
import jax.numpy as jnp
from jax import lax
from jax.experimental import pallas as pl
from jax.experimental.pallas import tpu as pltpu
from jax.experimental.pallas import tpu_sc as plsc

BASE_SCALE = 150.0
BASE_SHIFT = 10.0
H, W = 2160, 3840
NW = 32
NROWS = (H + NW - 1) // NW
NV = W // 16


def _sc_body(raw_hbm, coeff_hbm, out_hbm, coeff_v, u_v, row_in, p0, p1, p2):
    wid = lax.axis_index("s") * 2 + lax.axis_index("c")

    pltpu.sync_copy(coeff_hbm, coeff_v)

    def build_u(j, _):
        u_v[pl.ds(j * 16, 16)] = (lax.iota(jnp.int32, 16) + j * 16).astype(
            jnp.float32)
        return 0

    lax.fori_loop(0, NV, build_u, 0, unroll=4)

    A = coeff_v[0, :]
    B = coeff_v[1, :]
    c0 = [coeff_v[2 + k, :] for k in range(3)]
    c1 = [coeff_v[5 + k, :] for k in range(3)]
    c2 = [coeff_v[8 + k, :] for k in range(3)]
    t = [coeff_v[11 + k, :] for k in range(3)]

    def row_step(r, _):
        row = wid + NW * r

        @pl.when(row < H)
        def _():
            pltpu.sync_copy(raw_hbm.at[row], row_in)
            vf = jnp.full((16,), row, dtype=jnp.int32).astype(jnp.float32)
            h = [vf * c1[k] + c2[k] for k in range(3)]
            outs = [p0, p1, p2]

            def col_step(j, _):
                sl = pl.ds(j * 16, 16)
                d = row_in[sl] * A + B
                uv = u_v[sl]
                for k in range(3):
                    outs[k][sl] = d * (uv * c0[k] + h[k]) + t[k]
                return 0

            lax.fori_loop(0, NV, col_step, 0, unroll=2)
            for k in range(3):
                pltpu.sync_copy(outs[k], out_hbm.at[k, row])

        return 0

    lax.fori_loop(0, NROWS, row_step, 0)


def kernel(raw_depth, quaternion, T, scale, shift, Focalx, Focaly, Offsetx, Offsety):
    q = quaternion / jnp.sqrt(jnp.sum(quaternion * quaternion) + 1e-12)
    w, x, y, z = q[0], q[1], q[2], q[3]
    R = jnp.stack([
        jnp.stack([1 - 2 * (y * y + z * z), 2 * (x * y - w * z), 2 * (x * z + w * y)]),
        jnp.stack([2 * (x * y + w * z), 1 - 2 * (x * x + z * z), 2 * (y * z - w * x)]),
        jnp.stack([2 * (x * z - w * y), 2 * (y * z + w * x), 1 - 2 * (x * x + y * y)]),
    ])
    A = jnp.exp(scale) * BASE_SCALE
    B = shift * A + BASE_SHIFT
    c0 = R[:, 0] / Focalx
    c1 = R[:, 1] / Focaly
    c2 = R[:, 2] - R[:, 0] * Offsetx / Focalx - R[:, 1] * Offsety / Focaly
    coeffs = jnp.concatenate([
        jnp.stack([A, B]), c0, c1, c2, T, jnp.zeros((2,), jnp.float32)
    ]).astype(jnp.float32)
    coeff_tab = jnp.broadcast_to(coeffs[:, None], (16, 16))

    mesh = plsc.VectorSubcoreMesh(core_axis_name="c", subcore_axis_name="s")
    sc_call = pl.kernel(
        _sc_body,
        mesh=mesh,
        out_type=jax.ShapeDtypeStruct((3, H, W), jnp.float32),
        scratch_types=[
            pltpu.VMEM((16, 16), jnp.float32),
            pltpu.VMEM((W,), jnp.float32),
            pltpu.VMEM((W,), jnp.float32),
            pltpu.VMEM((W,), jnp.float32),
            pltpu.VMEM((W,), jnp.float32),
            pltpu.VMEM((W,), jnp.float32),
        ],
    )
    planes = sc_call(raw_depth, coeff_tab)
    return jnp.transpose(planes, (1, 2, 0))

# --- scband reference (transcript-rebuilt; emitter-appended) ---
"""Pipeline reference for scband-differentiable-camera-33552284516420 (READ-ONLY COPY).

The authoritative reference and input builder live on the scoring server;
editing this copy changes nothing except your own understanding.
"""

import jax, jax.numpy as jnp
import numpy as np

BASE_SCALE = 150.0
BASE_SHIFT = 10.0
H, W = 2160, 3840


def quaternion_to_matrix(q):
    q = q / jnp.sqrt(jnp.sum(q * q) + 1e-12)
    w, x, y, z = q[0], q[1], q[2], q[3]
    return jnp.stack([
        jnp.stack([1 - 2 * (y * y + z * z), 2 * (x * y - w * z), 2 * (x * z + w * y)]),
        jnp.stack([2 * (x * y + w * z), 1 - 2 * (x * x + z * z), 2 * (y * z - w * x)]),
        jnp.stack([2 * (x * z - w * y), 2 * (y * z + w * x), 1 - 2 * (x * x + y * y)]),
    ])


def setup_inputs(seed: int = 0) -> dict:
    key = jax.random.key(seed)
    k0, k1, k2 = jax.random.split(key, 3)
    raw_depth = jax.random.normal(k0, (H, W), dtype=jnp.float32)
    quaternion = jnp.array([1.0, 0.02, -0.01, 0.03], dtype=jnp.float32)
    T = jnp.array([0.1, -0.2, 0.3], dtype=jnp.float32)
    scale = jnp.zeros((), dtype=jnp.float32)
    shift = jnp.zeros((), dtype=jnp.float32)
    Focalx = jnp.asarray(2000.0, dtype=jnp.float32)
    Focaly = jnp.asarray(2000.0, dtype=jnp.float32)
    Offsetx = jnp.asarray(W / 2.0, dtype=jnp.float32)
    Offsety = jnp.asarray(H / 2.0, dtype=jnp.float32)
    return {"raw_depth": raw_depth, "quaternion": quaternion, "T": T,
            "scale": scale, "shift": shift, "Focalx": Focalx, "Focaly": Focaly,
            "Offsetx": Offsetx, "Offsety": Offsety}


def reference(raw_depth, quaternion, T, scale, shift, Focalx, Focaly, Offsetx, Offsety):
    # 'whole' scale_and_shift_mode: depth = exp(s) * (raw + t) * BASE_SCALE + BASE_SHIFT
    depth = jnp.exp(scale) * (raw_depth + shift) * BASE_SCALE + BASE_SHIFT
    u = jnp.arange(W, dtype=jnp.float32)[None, :]
    v = jnp.arange(H, dtype=jnp.float32)[:, None]
    dx = (u - Offsetx) / Focalx
    dy = (v - Offsety) / Focaly
    dirs = jnp.stack([
        jnp.broadcast_to(dx, (H, W)),
        jnp.broadcast_to(dy, (H, W)),
        jnp.ones((H, W), dtype=jnp.float32),
    ], axis=-1)
    pts_cam = dirs * depth[..., None]
    R = quaternion_to_matrix(quaternion)
    pts_world = pts_cam @ R.T + T
    return pts_world

if __name__ == "__main__":
    import jax
    _d = setup_inputs()
    print(jax.jit(kernel)(*tuple(_d.values())))

</pallas_src>

<mosaic_0001>
#map = affine_map<(d0, d1) -> (0, 0)>
#map1 = affine_map<(d0, d1) -> (0, 0, 0)>
module attributes {stable_mosaic.version = 14 : i64} {
  func.func @_sc_body(%arg0: i32, %arg1: i32, %arg2: memref<2160x3840xf32, #tpu.memory_space<hbm>>, %arg3: memref<16x16xf32, #tpu.memory_space<hbm>>, %arg4: memref<3x2160x3840xf32, #tpu.memory_space<hbm>>, %arg5: memref<16x16xf32, #tpu.memory_space<vmem>>, %arg6: memref<3840xf32, #tpu.memory_space<vmem>>, %arg7: memref<3840xf32, #tpu.memory_space<vmem>>, %arg8: memref<3840xf32, #tpu.memory_space<vmem>>, %arg9: memref<3840xf32, #tpu.memory_space<vmem>>, %arg10: memref<3840xf32, #tpu.memory_space<vmem>>) attributes {dimension_semantics = [#tpu.dimension_semantics<core_parallel>, #tpu.dimension_semantics<subcore_parallel>], iteration_bounds = array<i64: 2, 16>, scalar_prefetch = 0 : i64, scratch_operands = 6 : i64, tpu.core_type = #tpu.core_type<sc_vector_subcore>, window_params = [{transform_indices = #map}, {transform_indices = #map}, {transform_indices = #map1}]} {
    %mul3A = arith.constant 2 : i32
    %mul3A_0 = arith.muli %arg1, %mul3A : i32
    %add3A = arith.addi %mul3A_0, %arg0 : i32
    "tpu.region"() ({
      %run_scoped3A = tpu.sem_alloc : memref<!tpu.dma_semaphore, #tpu.memory_space<semaphore_mem>>
      tpu.enqueue_dma source(%arg3 : memref<16x16xf32, #tpu.memory_space<hbm>>) target(%arg5 : memref<16x16xf32, #tpu.memory_space<vmem>>) target_semaphore(%run_scoped3A : memref<!tpu.dma_semaphore, #tpu.memory_space<semaphore_mem>>)
      tpu.wait_dma2 semaphore(%run_scoped3A : memref<!tpu.dma_semaphore, #tpu.memory_space<semaphore_mem>>) src(%arg3 : memref<16x16xf32, #tpu.memory_space<hbm>>) dst(%arg5 : memref<16x16xf32, #tpu.memory_space<vmem>>)
      tpu.yield
    }) : () -> ()
    %scan3A = arith.constant 0 : i32
    %scan3A_1 = arith.constant 0 : i32
    %scan3A_2 = arith.constant 240 : i32
    %scan3A_3 = arith.addi %scan3A_1, %scan3A_2 : i32
    %scan3A_4 = arith.constant 4 : i32
    %scan3A_5 = scf.for %scan3A_83 = %scan3A_1 to %scan3A_3 step %scan3A_4 iter_args(%scan3A_84 = %scan3A) -> (i32)  : i32 {
      %iota3A = tpu.iota {dimensions = array<i32: 0>} : vector<16xi32>
      %mul3A_85 = arith.constant 16 : i32
      %mul3A_86 = arith.muli %scan3A_83, %mul3A_85 : i32
      %add3A_87 = vector.broadcast %mul3A_86 : i32 to vector<16xi32>
      %add3A_88 = arith.addi %iota3A, %add3A_87 : vector<16xi32>
      %convert_element_type3A = arith.sitofp %add3A_88 : vector<16xi32> to vector<16xf32>
      %mul3A_89 = arith.constant 16 : i32
      %mul3A_90 = arith.muli %scan3A_83, %mul3A_89 : i32
      %swap3A = arith.index_cast %mul3A_90 : i32 to index
      %swap3A_91 = tpu.vector_load %arg6[%swap3A] {strides = array<i32>} : memref<3840xf32, #tpu.memory_space<vmem>>, vector<16xf32>,
      %swap3A_92 = vector.shape_cast %swap3A_91 : vector<16xf32> to vector<16xf32>
      %swap3A_93 = vector.shape_cast %convert_element_type3A : vector<16xf32> to vector<16xf32>
      tpu.vector_store %arg6[%swap3A], %swap3A_93 {strides = array<i32>} : memref<3840xf32, #tpu.memory_space<vmem>>, vector<16xf32>,
      %scan3A_94 = arith.constant 0 : i32
      %scan3A_95 = arith.constant 1 : i32
      %scan3A_96 = arith.addi %scan3A_83, %scan3A_95 : i32
      %iota3A_97 = tpu.iota {dimensions = array<i32: 0>} : vector<16xi32>
      %mul3A_98 = arith.constant 16 : i32
      %mul3A_99 = arith.muli %scan3A_96, %mul3A_98 : i32
      %add3A_100 = vector.broadcast %mul3A_99 : i32 to vector<16xi32>
      %add3A_101 = arith.addi %iota3A_97, %add3A_100 : vector<16xi32>
      %convert_element_type3A_102 = arith.sitofp %add3A_101 : vector<16xi32> to vector<16xf32>
      %mul3A_103 = arith.constant 16 : i32
      %mul3A_104 = arith.muli %scan3A_96, %mul3A_103 : i32
      %swap3A_105 = arith.index_cast %mul3A_104 : i32 to index
      %swap3A_106 = tpu.vector_load %arg6[%swap3A_105] {strides = array<i32>} : memref<3840xf32, #tpu.memory_space<vmem>>, vector<16xf32>,
      %swap3A_107 = vector.shape_cast %swap3A_106 : vector<16xf32> to vector<16xf32>
      %swap3A_108 = vector.shape_cast %convert_element_type3A_102 : vector<16xf32> to vector<16xf32>
      tpu.vector_store %arg6[%swap3A_105], %swap3A_108 {strides = array<i32>} : memref<3840xf32, #tpu.memory_space<vmem>>, vector<16xf32>,
      %scan3A_109 = arith.constant 0 : i32
      %scan3A_110 = arith.constant 2 : i32
      %scan3A_111 = arith.addi %scan3A_83, %scan3A_110 : i32
      %iota3A_112 = tpu.iota {dimensions = array<i32: 0>} : vector<16xi32>
      %mul3A_113 = arith.constant 16 : i32
      %mul3A_114 = arith.muli %scan3A_111, %mul3A_113 : i32
      %add3A_115 = vector.broadcast %mul3A_114 : i32 to vector<16xi32>
      %add3A_116 = arith.addi %iota3A_112, %add3A_115 : vector<16xi32>
      %convert_element_type3A_117 = arith.sitofp %add3A_116 : vector<16xi32> to vector<16xf32>
      %mul3A_118 = arith.constant 16 : i32
      %mul3A_119 = arith.muli %scan3A_111, %mul3A_118 : i32
      %swap3A_120 = arith.index_cast %mul3A_119 : i32 to index
      %swap3A_121 = tpu.vector_load %arg6[%swap3A_120] {strides = array<i32>} : memref<3840xf32, #tpu.memory_space<vmem>>, vector<16xf32>,
      %swap3A_122 = vector.shape_cast %swap3A_121 : vector<16xf32> to vector<16xf32>
      %swap3A_123 = vector.shape_cast %convert_element_type3A_117 : vector<16xf32> to vector<16xf32>
      tpu.vector_store %arg6[%swap3A_120], %swap3A_123 {strides = array<i32>} : memref<3840xf32, #tpu.memory_space<vmem>>, vector<16xf32>,
      %scan3A_124 = arith.constant 0 : i32
      %scan3A_125 = arith.constant 3 : i32
      %scan3A_126 = arith.addi %scan3A_83, %scan3A_125 : i32
      %iota3A_127 = tpu.iota {dimensions = array<i32: 0>} : vector<16xi32>
      %mul3A_128 = arith.constant 16 : i32
      %mul3A_129 = arith.muli %scan3A_126, %mul3A_128 : i32
      %add3A_130 = vector.broadcast %mul3A_129 : i32 to vector<16xi32>
      %add3A_131 = arith.addi %iota3A_127, %add3A_130 : vector<16xi32>
      %convert_element_type3A_132 = arith.sitofp %add3A_131 : vector<16xi32> to vector<16xf32>
      %mul3A_133 = arith.constant 16 : i32
      %mul3A_134 = arith.muli %scan3A_126, %mul3A_133 : i32
      %swap3A_135 = arith.index_cast %mul3A_134 : i32 to index
      %swap3A_136 = tpu.vector_load %arg6[%swap3A_135] {strides = array<i32>} : memref<3840xf32, #tpu.memory_space<vmem>>, vector<16xf32>,
      %swap3A_137 = vector.shape_cast %swap3A_136 : vector<16xf32> to vector<16xf32>
      %swap3A_138 = vector.shape_cast %convert_element_type3A_132 : vector<16xf32> to vector<16xf32>
      tpu.vector_store %arg6[%swap3A_135], %swap3A_138 {strides = array<i32>} : memref<3840xf32, #tpu.memory_space<vmem>>, vector<16xf32>,
      %scan3A_139 = arith.constant 0 : i32
      scf.yield %scan3A_139 : i32
    }
    %scan3A_6 = arith.constant 240 : i32
    %get3A = arith.constant 0 : i32
    %get3A_7 = arith.index_cast %get3A : i32 to index
    %get3A_8 = arith.constant 0 : index
    %get3A_9 = tpu.vector_load %arg5[%get3A_7, %get3A_8] {strides = array<i32>} : memref<16x16xf32, #tpu.memory_space<vmem>>, vector<1x16xf32>,
    %get3A_10 = vector.shape_cast %get3A_9 : vector<1x16xf32> to vector<16xf32>
    %get3A_11 = arith.constant 1 : i32
    %get3A_12 = arith.index_cast %get3A_11 : i32 to index
    %get3A_13 = arith.constant 0 : index
    %get3A_14 = tpu.vector_load %arg5[%get3A_12, %get3A_13] {strides = array<i32>} : memref<16x16xf32, #tpu.memory_space<vmem>>, vector<1x16xf32>,
    %get3A_15 = vector.shape_cast %get3A_14 : vector<1x16xf32> to vector<16xf32>
    %get3A_16 = arith.constant 2 : i32
    %get3A_17 = arith.index_cast %get3A_16 : i32 to index
    %get3A_18 = arith.constant 0 : index
    %get3A_19 = tpu.vector_load %arg5[%get3A_17, %get3A_18] {strides = array<i32>} : memref<16x16xf32, #tpu.memory_space<vmem>>, vector<1x16xf32>,
    %get3A_20 = vector.shape_cast %get3A_19 : vector<1x16xf32> to vector<16xf32>
    %get3A_21 = arith.constant 3 : i32
    %get3A_22 = arith.index_cast %get3A_21 : i32 to index
    %get3A_23 = arith.constant 0 : index
    %get3A_24 = tpu.vector_load %arg5[%get3A_22, %get3A_23] {strides = array<i32>} : memref<16x16xf32, #tpu.memory_space<vmem>>, vector<1x16xf32>,
    %get3A_25 = vector.shape_cast %get3A_24 : vector<1x16xf32> to vector<16xf32>
    %get3A_26 = arith.constant 4 : i32
    %get3A_27 = arith.index_cast %get3A_26 : i32 to index
    %get3A_28 = arith.constant 0 : index
    %get3A_29 = tpu.vector_load %arg5[%get3A_27, %get3A_28] {strides = array<i32>} : memref<16x16xf32, #tpu.memory_space<vmem>>, vector<1x16xf32>,
    %get3A_30 = vector.shape_cast %get3A_29 : vector<1x16xf32> to vector<16xf32>
    %get3A_31 = arith.constant 5 : i32
    %get3A_32 = arith.index_cast %get3A_31 : i32 to index
    %get3A_33 = arith.constant 0 : index
    %get3A_34 = tpu.vector_load %arg5[%get3A_32, %get3A_33] {strides = array<i32>} : memref<16x16xf32, #tpu.memory_space<vmem>>, vector<1x16xf32>,
    %get3A_35 = vector.shape_cast %get3A_34 : vector<1x16xf32> to vector<16xf32>
    %get3A_36 = arith.constant 6 : i32
    %get3A_37 = arith.index_cast %get3A_36 : i32 to index
    %get3A_38 = arith.constant 0 : index
    %get3A_39 = tpu.vector_load %arg5[%get3A_37, %get3A_38] {strides = array<i32>} : memref<16x16xf32, #tpu.memory_space<vmem>>, vector<1x16xf32>,
    %get3A_40 = vector.shape_cast %get3A_39 : vector<1x16xf32> to vector<16xf32>
    %get3A_41 = arith.constant 7 : i32
    %get3A_42 = arith.index_cast %get3A_41 : i32 to index
    %get3A_43 = arith.constant 0 : index
    %get3A_44 = tpu.vector_load %arg5[%get3A_42, %get3A_43] {strides = array<i32>} : memref<16x16xf32, #tpu.memory_space<vmem>>, vector<1x16xf32>,
    %get3A_45 = vector.shape_cast %get3A_44 : vector<1x16xf32> to vector<16xf32>
    %get3A_46 = arith.constant 8 : i32
    %get3A_47 = arith.index_cast %get3A_46 : i32 to index
    %get3A_48 = arith.constant 0 : index
    %get3A_49 = tpu.vector_load %arg5[%get3A_47, %get3A_48] {strides = array<i32>} : memref<16x16xf32, #tpu.memory_space<vmem>>, vector<1x16xf32>,
    %get3A_50 = vector.shape_cast %get3A_49 : vector<1x16xf32> to vector<16xf32>
    %get3A_51 = arith.constant 9 : i32
    %get3A_52 = arith.index_cast %get3A_51 : i32 to index
    %get3A_53 = arith.constant 0 : index
    %get3A_54 = tpu.vector_load %arg5[%get3A_52, %get3A_53] {strides = array<i32>} : memref<16x16xf32, #tpu.memory_space<vmem>>, vector<1x16xf32>,
    %get3A_55 = vector.shape_cast %get3A_54 : vector<1x16xf32> to vector<16xf32>
    %get3A_56 = arith.constant 10 : i32
    %get3A_57 = arith.index_cast %get3A_56 : i32 to index
    %get3A_58 = arith.constant 0 : index
    %get3A_59 = tpu.vector_load %arg5[%get3A_57, %get3A_58] {strides = array<i32>} : memref<16x16xf32, #tpu.memory_space<vmem>>, vector<1x16xf32>,
    %get3A_60 = vector.shape_cast %get3A_59 : vector<1x16xf32> to vector<16xf32>
    %get3A_61 = arith.constant 11 : i32
    %get3A_62 = arith.index_cast %get3A_61 : i32 to index
    %get3A_63 = arith.constant 0 : index
    %get3A_64 = tpu.vector_load %arg5[%get3A_62, %get3A_63] {strides = array<i32>} : memref<16x16xf32, #tpu.memory_space<vmem>>, vector<1x16xf32>,
    %get3A_65 = vector.shape_cast %get3A_64 : vector<1x16xf32> to vector<16xf32>
    %get3A_66 = arith.constant 12 : i32
    %get3A_67 = arith.index_cast %get3A_66 : i32 to index
    %get3A_68 = arith.constant 0 : index
    %get3A_69 = tpu.vector_load %arg5[%get3A_67, %get3A_68] {strides = array<i32>} : memref<16x16xf32, #tpu.memory_space<vmem>>, vector<1x16xf32>,
    %get3A_70 = vector.shape_cast %get3A_69 : vector<1x16xf32> to vector<16xf32>
    %get3A_71 = arith.constant 13 : i32
    %get3A_72 = arith.index_cast %get3A_71 : i32 to index
    %get3A_73 = arith.constant 0 : index
    %get3A_74 = tpu.vector_load %arg5[%get3A_72, %get3A_73] {strides = array<i32>} : memref<16x16xf32, #tpu.memory_space<vmem>>, vector<1x16xf32>,
    %get3A_75 = vector.shape_cast %get3A_74 : vector<1x16xf32> to vector<16xf32>
    %scan3A_76 = arith.constant 0 : i32
    %scan3A_77 = arith.constant 0 : i32
    %scan3A_78 = arith.constant 68 : i32
    %scan3A_79 = arith.addi %scan3A_77, %scan3A_78 : i32
    %scan3A_80 = arith.constant 1 : i32
    %scan3A_81 = scf.for %scan3A_83 = %scan3A_77 to %scan3A_79 step %scan3A_80 iter_args(%scan3A_84 = %scan3A_76) -> (i32)  : i32 {
      %mul3A_85 = arith.constant 32 : i32
      %mul3A_86 = arith.muli %mul3A_85, %scan3A_83 : i32
      %add3A_87 = arith.addi %add3A, %mul3A_86 : i32
      %lt3A = arith.constant 2160 : i32
      %lt3A_88 = arith.cmpi slt, %add3A_87, %lt3A : i32
      %convert_element_type3A = arith.extui %lt3A_88 : i1 to i32
      %cond3A = arith.constant 0 : i32
      %cond3A_89 = arith.cmpi ne, %convert_element_type3A, %cond3A : i32
      scf.if %cond3A_89 {
        "tpu.region"() ({
          %run_scoped3A_107 = tpu.sem_alloc : memref<!tpu.dma_semaphore, #tpu.memory_space<semaphore_mem>>
          %dma_start3A = arith.constant 0 : i32
          %dma_start3A_108 = tpu.memref_slice %arg2[%add3A_87, %dma_start3A] : memref<2160x3840xf32, #tpu.memory_space<hbm>> -> memref<1x3840xf32, #tpu.memory_space<hbm>>
          %dma_start3A_109 = tpu.memref_squeeze %dma_start3A_108 : memref<1x3840xf32, #tpu.memory_space<hbm>> -> memref<3840xf32, #tpu.memory_space<hbm>>
          %dma_start3A_110 = arith.constant 0 : i32
          %dma_start3A_111 = tpu.memref_slice %arg2[%add3A_87, %dma_start3A_110] : memref<2160x3840xf32, #tpu.memory_space<hbm>> -> memref<1x3840xf32, #tpu.memory_space<hbm>>
          %dma_start3A_112 = tpu.memref_squeeze %dma_start3A_111 : memref<1x3840xf32, #tpu.memory_space<hbm>> -> memref<3840xf32, #tpu.memory_space<hbm>>
          tpu.enqueue_dma source(%dma_start3A_112 : memref<3840xf32, #tpu.memory_space<hbm>>) target(%arg7 : memref<3840xf32, #tpu.memory_space<vmem>>) target_semaphore(%run_scoped3A_107 : memref<!tpu.dma_semaphore, #tpu.memory_space<semaphore_mem>>)
          %dma_wait3A = arith.constant 0 : i32
          %dma_wait3A_113 = tpu.memref_slice %arg2[%add3A_87, %dma_wait3A] : memref<2160x3840xf32, #tpu.memory_space<hbm>> -> memref<1x3840xf32, #tpu.memory_space<hbm>>
          %dma_wait3A_114 = tpu.memref_squeeze %dma_wait3A_113 : memref<1x3840xf32, #tpu.memory_space<hbm>> -> memref<3840xf32, #tpu.memory_space<hbm>>
          %dma_wait3A_115 = arith.constant 0 : i32
          %dma_wait3A_116 = tpu.memref_slice %arg2[%add3A_87, %dma_wait3A_115] : memref<2160x3840xf32, #tpu.memory_space<hbm>> -> memref<1x3840xf32, #tpu.memory_space<hbm>>
          %dma_wait3A_117 = tpu.memref_squeeze %dma_wait3A_116 : memref<1x3840xf32, #tpu.memory_space<hbm>> -> memref<3840xf32, #tpu.memory_space<hbm>>
          tpu.wait_dma2 semaphore(%run_scoped3A_107 : memref<!tpu.dma_semaphore, #tpu.memory_space<semaphore_mem>>) src(%dma_wait3A_117 : memref<3840xf32, #tpu.memory_space<hbm>>) dst(%arg7 : memref<3840xf32, #tpu.memory_space<vmem>>)
          tpu.yield
        }) : () -> ()
        %broadcast_in_dim3A = vector.broadcast %add3A_87 : i32 to vector<16xi32>
        %convert_element_type3A_91 = arith.sitofp %broadcast_in_dim3A : vector<16xi32> to vector<16xf32>
        %mul3A_92 = arith.mulf %convert_element_type3A_91, %get3A_35 : vector<16xf32>
        %add3A_93 = arith.addf %mul3A_92, %get3A_50 : vector<16xf32>
        %mul3A_94 = arith.mulf %convert_element_type3A_91, %get3A_40 : vector<16xf32>
        %add3A_95 = arith.addf %mul3A_94, %get3A_55 : vector<16xf32>
        %mul3A_96 = arith.mulf %convert_element_type3A_91, %get3A_45 : vector<16xf32>
        %add3A_97 = arith.addf %mul3A_96, %get3A_60 : vector<16xf32>
        %scan3A_98 = arith.constant 0 : i32
        %scan3A_99 = arith.constant 0 : i32
        %scan3A_100 = arith.constant 240 : i32
        %scan3A_101 = arith.addi %scan3A_99, %scan3A_100 : i32
        %scan3A_102 = arith.constant 2 : i32
        %scan3A_103 = scf.for %scan3A_107 = %scan3A_99 to %scan3A_101 step %scan3A_102 iter_args(%scan3A_108 = %scan3A_98) -> (i32)  : i32 {
          %mul3A_109 = arith.constant 16 : i32
          %mul3A_110 = arith.muli %scan3A_107, %mul3A_109 : i32
          %get3A_111 = arith.index_cast %mul3A_110 : i32 to index
          %get3A_112 = tpu.vector_load %arg7[%get3A_111] {strides = array<i32>} : memref<3840xf32, #tpu.memory_space<vmem>>, vector<16xf32>,
          %get3A_113 = vector.shape_cast %get3A_112 : vector<16xf32> to vector<16xf32>
          %mul3A_114 = arith.mulf %get3A_113, %get3A_10 : vector<16xf32>
          %add3A_115 = arith.addf %mul3A_114, %get3A_15 : vector<16xf32>
          %get3A_116 = arith.index_cast %mul3A_110 : i32 to index
          %get3A_117 = tpu.vector_load %arg6[%get3A_116] {strides = array<i32>} : memref<3840xf32, #tpu.memory_space<vmem>>, vector<16xf32>,
          %get3A_118 = vector.shape_cast %get3A_117 : vector<16xf32> to vector<16xf32>
          %mul3A_119 = arith.mulf %get3A_118, %get3A_20 : vector<16xf32>
          %add3A_120 = arith.addf %mul3A_119, %add3A_93 : vector<16xf32>
          %mul3A_121 = arith.mulf %add3A_115, %add3A_120 : vector<16xf32>
          %add3A_122 = arith.addf %mul3A_121, %get3A_65 : vector<16xf32>
          %swap3A = arith.index_cast %mul3A_110 : i32 to index
          %swap3A_123 = tpu.vector_load %arg8[%swap3A] {strides = array<i32>} : memref<3840xf32, #tpu.memory_space<vmem>>, vector<16xf32>,
          %swap3A_124 = vector.shape_cast %swap3A_123 : vector<16xf32> to vector<16xf32>
          %swap3A_125 = vector.shape_cast %add3A_122 : vector<16xf32> to vector<16xf32>
          tpu.vector_store %arg8[%swap3A], %swap3A_125 {strides = array<i32>} : memref<3840xf32, #tpu.memory_space<vmem>>, vector<16xf32>,
          %mul3A_126 = arith.mulf %get3A_118, %get3A_25 : vector<16xf32>
          %add3A_127 = arith.addf %mul3A_126, %add3A_95 : vector<16xf32>
          %mul3A_128 = arith.mulf %add3A_115, %add3A_127 : vector<16xf32>
          %add3A_129 = arith.addf %mul3A_128, %get3A_70 : vector<16xf32>
          %swap3A_130 = arith.index_cast %mul3A_110 : i32 to index
          %swap3A_131 = tpu.vector_load %arg9[%swap3A_130] {strides = array<i32>} : memref<3840xf32, #tpu.memory_space<vmem>>, vector<16xf32>,
          %swap3A_132 = vector.shape_cast %swap3A_131 : vector<16xf32> to vector<16xf32>
          %swap3A_133 = vector.shape_cast %add3A_129 : vector<16xf32> to vector<16xf32>
          tpu.vector_store %arg9[%swap3A_130], %swap3A_133 {strides = array<i32>} : memref<3840xf32, #tpu.memory_space<vmem>>, vector<16xf32>,
          %mul3A_134 = arith.mulf %get3A_118, %get3A_30 : vector<16xf32>
          %add3A_135 = arith.addf %mul3A_134, %add3A_97 : vector<16xf32>
          %mul3A_136 = arith.mulf %add3A_115, %add3A_135 : vector<16xf32>
          %add3A_137 = arith.addf %mul3A_136, %get3A_75 : vector<16xf32>
          %swap3A_138 = arith.index_cast %mul3A_110 : i32 to index
          %swap3A_139 = tpu.vector_load %arg10[%swap3A_138] {strides = array<i32>} : memref<3840xf32, #tpu.memory_space<vmem>>, vector<16xf32>,
          %swap3A_140 = vector.shape_cast %swap3A_139 : vector<16xf32> to vector<16xf32>
          %swap3A_141 = vector.shape_cast %add3A_137 : vector<16xf32> to vector<16xf32>
          tpu.vector_store %arg10[%swap3A_138], %swap3A_141 {strides = array<i32>} : memref<3840xf32, #tpu.memory_space<vmem>>, vector<16xf32>,
          %scan3A_142 = arith.constant 0 : i32
          %scan3A_143 = arith.constant 1 : i32
          %scan3A_144 = arith.addi %scan3A_107, %scan3A_143 : i32
          %mul3A_145 = arith.constant 16 : i32
          %mul3A_146 = arith.muli %scan3A_144, %mul3A_145 : i32
          %get3A_147 = arith.index_cast %mul3A_146 : i32 to index
          %get3A_148 = tpu.vector_load %arg7[%get3A_147] {strides = array<i32>} : memref<3840xf32, #tpu.memory_space<vmem>>, vector<16xf32>,
          %get3A_149 = vector.shape_cast %get3A_148 : vector<16xf32> to vector<16xf32>
          %mul3A_150 = arith.mulf %get3A_149, %get3A_10 : vector<16xf32>
          %add3A_151 = arith.addf %mul3A_150, %get3A_15 : vector<16xf32>
          %get3A_152 = arith.index_cast %mul3A_146 : i32 to index
          %get3A_153 = tpu.vector_load %arg6[%get3A_152] {strides = array<i32>} : memref<3840xf32, #tpu.memory_space<vmem>>, vector<16xf32>,
          %get3A_154 = vector.shape_cast %get3A_153 : vector<16xf32> to vector<16xf32>
          %mul3A_155 = arith.mulf %get3A_154, %get3A_20 : vector<16xf32>
          %add3A_156 = arith.addf %mul3A_155, %add3A_93 : vector<16xf32>
          %mul3A_157 = arith.mulf %add3A_151, %add3A_156 : vector<16xf32>
          %add3A_158 = arith.addf %mul3A_157, %get3A_65 : vector<16xf32>
          %swap3A_159 = arith.index_cast %mul3A_146 : i32 to index
          %swap3A_160 = tpu.vector_load %arg8[%swap3A_159] {strides = array<i32>} : memref<3840xf32, #tpu.memory_space<vmem>>, vector<16xf32>,
          %swap3A_161 = vector.shape_cast %swap3A_160 : vector<16xf32> to vector<16xf32>
          %swap3A_162 = vector.shape_cast %add3A_158 : vector<16xf32> to vector<16xf32>
          tpu.vector_store %arg8[%swap3A_159], %swap3A_162 {strides = array<i32>} : memref<3840xf32, #tpu.memory_space<vmem>>, vector<16xf32>,
          %mul3A_163 = arith.mulf %get3A_154, %get3A_25 : vector<16xf32>
          %add3A_164 = arith.addf %mul3A_163, %add3A_95 : vector<16xf32>
          %mul3A_165 = arith.mulf %add3A_151, %add3A_164 : vector<16xf32>
          %add3A_166 = arith.addf %mul3A_165, %get3A_70 : vector<16xf32>
          %swap3A_167 = arith.index_cast %mul3A_146 : i32 to index
          %swap3A_168 = tpu.vector_load %arg9[%swap3A_167] {strides = array<i32>} : memref<3840xf32, #tpu.memory_space<vmem>>, vector<16xf32>,
          %swap3A_169 = vector.shape_cast %swap3A_168 : vector<16xf32> to vector<16xf32>
          %swap3A_170 = vector.shape_cast %add3A_166 : vector<16xf32> to vector<16xf32>
          tpu.vector_store %arg9[%swap3A_167], %swap3A_170 {strides = array<i32>} : memref<3840xf32, #tpu.memory_space<vmem>>, vector<16xf32>,
          %mul3A_171 = arith.mulf %get3A_154, %get3A_30 : vector<16xf32>
          %add3A_172 = arith.addf %mul3A_171, %add3A_97 : vector<16xf32>
          %mul3A_173 = arith.mulf %add3A_151, %add3A_172 : vector<16xf32>
          %add3A_174 = arith.addf %mul3A_173, %get3A_75 : vector<16xf32>
          %swap3A_175 = arith.index_cast %mul3A_146 : i32 to index
          %swap3A_176 = tpu.vector_load %arg10[%swap3A_175] {strides = array<i32>} : memref<3840xf32, #tpu.memory_space<vmem>>, vector<16xf32>,
          %swap3A_177 = vector.shape_cast %swap3A_176 : vector<16xf32> to vector<16xf32>
          %swap3A_178 = vector.shape_cast %add3A_174 : vector<16xf32> to vector<16xf32>
          tpu.vector_store %arg10[%swap3A_175], %swap3A_178 {strides = array<i32>} : memref<3840xf32, #tpu.memory_space<vmem>>, vector<16xf32>,
          %scan3A_179 = arith.constant 0 : i32
          scf.yield %scan3A_179 : i32
        }
        %scan3A_104 = arith.constant 240 : i32
        %run_scoped3A = arith.constant 0 : i32
        "tpu.region"() ({
          %run_scoped3A_107 = tpu.sem_alloc : memref<!tpu.dma_semaphore, #tpu.memory_space<semaphore_mem>>
          %dma_start3A = arith.constant 0 : i32
          %dma_start3A_108 = tpu.memref_slice %arg4[%run_scoped3A, %add3A_87, %dma_start3A] : memref<3x2160x3840xf32, #tpu.memory_space<hbm>> -> memref<1x1x3840xf32, #tpu.memory_space<hbm>>
          %dma_start3A_109 = tpu.memref_squeeze %dma_start3A_108 : memref<1x1x3840xf32, #tpu.memory_space<hbm>> -> memref<3840xf32, #tpu.memory_space<hbm>>
          %dma_start3A_110 = arith.constant 0 : i32
          %dma_start3A_111 = tpu.memref_slice %arg4[%run_scoped3A, %add3A_87, %dma_start3A_110] : memref<3x2160x3840xf32, #tpu.memory_space<hbm>> -> memref<1x1x3840xf32, #tpu.memory_space<hbm>>
          %dma_start3A_112 = tpu.memref_squeeze %dma_start3A_111 : memref<1x1x3840xf32, #tpu.memory_space<hbm>> -> memref<3840xf32, #tpu.memory_space<hbm>>
          tpu.enqueue_dma source(%arg8 : memref<3840xf32, #tpu.memory_space<vmem>>) target(%dma_start3A_112 : memref<3840xf32, #tpu.memory_space<hbm>>) target_semaphore(%run_scoped3A_107 : memref<!tpu.dma_semaphore, #tpu.memory_space<semaphore_mem>>)
          %dma_wait3A = arith.constant 0 : i32
          %dma_wait3A_113 = tpu.memref_slice %arg4[%run_scoped3A, %add3A_87, %dma_wait3A] : memref<3x2160x3840xf32, #tpu.memory_space<hbm>> -> memref<1x1x3840xf32, #tpu.memory_space<hbm>>
          %dma_wait3A_114 = tpu.memref_squeeze %dma_wait3A_113 : memref<1x1x3840xf32, #tpu.memory_space<hbm>> -> memref<3840xf32, #tpu.memory_space<hbm>>
          %dma_wait3A_115 = arith.constant 0 : i32
          %dma_wait3A_116 = tpu.memref_slice %arg4[%run_scoped3A, %add3A_87, %dma_wait3A_115] : memref<3x2160x3840xf32, #tpu.memory_space<hbm>> -> memref<1x1x3840xf32, #tpu.memory_space<hbm>>
          %dma_wait3A_117 = tpu.memref_squeeze %dma_wait3A_116 : memref<1x1x3840xf32, #tpu.memory_space<hbm>> -> memref<3840xf32, #tpu.memory_space<hbm>>
          tpu.wait_dma2 semaphore(%run_scoped3A_107 : memref<!tpu.dma_semaphore, #tpu.memory_space<semaphore_mem>>) src(%arg8 : memref<3840xf32, #tpu.memory_space<vmem>>) dst(%dma_wait3A_117 : memref<3840xf32, #tpu.memory_space<hbm>>)
          tpu.yield
        }) : () -> ()
        %run_scoped3A_105 = arith.constant 1 : i32
        "tpu.region"() ({
          %run_scoped3A_107 = tpu.sem_alloc : memref<!tpu.dma_semaphore, #tpu.memory_space<semaphore_mem>>
          %dma_start3A = arith.constant 0 : i32
          %dma_start3A_108 = tpu.memref_slice %arg4[%run_scoped3A_105, %add3A_87, %dma_start3A] : memref<3x2160x3840xf32, #tpu.memory_space<hbm>> -> memref<1x1x3840xf32, #tpu.memory_space<hbm>>
          %dma_start3A_109 = tpu.memref_squeeze %dma_start3A_108 : memref<1x1x3840xf32, #tpu.memory_space<hbm>> -> memref<3840xf32, #tpu.memory_space<hbm>>
          %dma_start3A_110 = arith.constant 0 : i32
          %dma_start3A_111 = tpu.memref_slice %arg4[%run_scoped3A_105, %add3A_87, %dma_start3A_110] : memref<3x2160x3840xf32, #tpu.memory_space<hbm>> -> memref<1x1x3840xf32, #tpu.memory_space<hbm>>
          %dma_start3A_112 = tpu.memref_squeeze %dma_start3A_111 : memref<1x1x3840xf32, #tpu.memory_space<hbm>> -> memref<3840xf32, #tpu.memory_space<hbm>>
          tpu.enqueue_dma source(%arg9 : memref<3840xf32, #tpu.memory_space<vmem>>) target(%dma_start3A_112 : memref<3840xf32, #tpu.memory_space<hbm>>) target_semaphore(%run_scoped3A_107 : memref<!tpu.dma_semaphore, #tpu.memory_space<semaphore_mem>>)
          %dma_wait3A = arith.constant 0 : i32
          %dma_wait3A_113 = tpu.memref_slice %arg4[%run_scoped3A_105, %add3A_87, %dma_wait3A] : memref<3x2160x3840xf32, #tpu.memory_space<hbm>> -> memref<1x1x3840xf32, #tpu.memory_space<hbm>>
          %dma_wait3A_114 = tpu.memref_squeeze %dma_wait3A_113 : memref<1x1x3840xf32, #tpu.memory_space<hbm>> -> memref<3840xf32, #tpu.memory_space<hbm>>
          %dma_wait3A_115 = arith.constant 0 : i32
          %dma_wait3A_116 = tpu.memref_slice %arg4[%run_scoped3A_105, %add3A_87, %dma_wait3A_115] : memref<3x2160x3840xf32, #tpu.memory_space<hbm>> -> memref<1x1x3840xf32, #tpu.memory_space<hbm>>
          %dma_wait3A_117 = tpu.memref_squeeze %dma_wait3A_116 : memref<1x1x3840xf32, #tpu.memory_space<hbm>> -> memref<3840xf32, #tpu.memory_space<hbm>>
          tpu.wait_dma2 semaphore(%run_scoped3A_107 : memref<!tpu.dma_semaphore, #tpu.memory_space<semaphore_mem>>) src(%arg9 : memref<3840xf32, #tpu.memory_space<vmem>>) dst(%dma_wait3A_117 : memref<3840xf32, #tpu.memory_space<hbm>>)
          tpu.yield
        }) : () -> ()
        %run_scoped3A_106 = arith.constant 2 : i32
        "tpu.region"() ({
          %run_scoped3A_107 = tpu.sem_alloc : memref<!tpu.dma_semaphore, #tpu.memory_space<semaphore_mem>>
          %dma_start3A = arith.constant 0 : i32
          %dma_start3A_108 = tpu.memref_slice %arg4[%run_scoped3A_106, %add3A_87, %dma_start3A] : memref<3x2160x3840xf32, #tpu.memory_space<hbm>> -> memref<1x1x3840xf32, #tpu.memory_space<hbm>>
          %dma_start3A_109 = tpu.memref_squeeze %dma_start3A_108 : memref<1x1x3840xf32, #tpu.memory_space<hbm>> -> memref<3840xf32, #tpu.memory_space<hbm>>
          %dma_start3A_110 = arith.constant 0 : i32
          %dma_start3A_111 = tpu.memref_slice %arg4[%run_scoped3A_106, %add3A_87, %dma_start3A_110] : memref<3x2160x3840xf32, #tpu.memory_space<hbm>> -> memref<1x1x3840xf32, #tpu.memory_space<hbm>>
          %dma_start3A_112 = tpu.memref_squeeze %dma_start3A_111 : memref<1x1x3840xf32, #tpu.memory_space<hbm>> -> memref<3840xf32, #tpu.memory_space<hbm>>
          tpu.enqueue_dma source(%arg10 : memref<3840xf32, #tpu.memory_space<vmem>>) target(%dma_start3A_112 : memref<3840xf32, #tpu.memory_space<hbm>>) target_semaphore(%run_scoped3A_107 : memref<!tpu.dma_semaphore, #tpu.memory_space<semaphore_mem>>)
          %dma_wait3A = arith.constant 0 : i32
          %dma_wait3A_113 = tpu.memref_slice %arg4[%run_scoped3A_106, %add3A_87, %dma_wait3A] : memref<3x2160x3840xf32, #tpu.memory_space<hbm>> -> memref<1x1x3840xf32, #tpu.memory_space<hbm>>
          %dma_wait3A_114 = tpu.memref_squeeze %dma_wait3A_113 : memref<1x1x3840xf32, #tpu.memory_space<hbm>> -> memref<3840xf32, #tpu.memory_space<hbm>>
          %dma_wait3A_115 = arith.constant 0 : i32
          %dma_wait3A_116 = tpu.memref_slice %arg4[%run_scoped3A_106, %add3A_87, %dma_wait3A_115] : memref<3x2160x3840xf32, #tpu.memory_space<hbm>> -> memref<1x1x3840xf32, #tpu.memory_space<hbm>>
          %dma_wait3A_117 = tpu.memref_squeeze %dma_wait3A_116 : memref<1x1x3840xf32, #tpu.memory_space<hbm>> -> memref<3840xf32, #tpu.memory_space<hbm>>
          tpu.wait_dma2 semaphore(%run_scoped3A_107 : memref<!tpu.dma_semaphore, #tpu.memory_space<semaphore_mem>>) src(%arg10 : memref<3840xf32, #tpu.memory_space<vmem>>) dst(%dma_wait3A_117 : memref<3840xf32, #tpu.memory_space<hbm>>)
          tpu.yield
        }) : () -> ()
      } else {
      }
      %scan3A_90 = arith.constant 0 : i32
      scf.yield %scan3A_90 : i32
    }
    %scan3A_82 = arith.constant 68 : i32
    return
  }
}

</mosaic_0001>

<sc_bundles>
// kernel: kernel.3.cloned.1.call-start
scs
__scs_entry_jumppad:
0x0: {  	(pc) =	sbr.rel $0x88, $3  }
0x1: {  	(tag) =	ssettag $0x0;
	lr =	simm.s32 $0x1  }
0x2: {  	[smem:$0x3F98] =	sst lr;
	_ =	strace $0xD0000000  }
0x3: {  	_ = 	snop  }
0x4: {  	_ = 	snop  }
0x5: {  	_ = 	snop  }
0x6: {  	_ = 	snop  }
0x7: {  	_ = 	snop  }
__scs_overlays_trampoline_lowered:
0x8: {  	[smem:$0x3FA7] =	sst s0  }
0x9: {  	[smem:$0x3FA8] =	sst s1  }
0xa: {  	[smem:$0x3FA9] =	sst s2  }
0xb: {  	[smem:$0x3FAA] =	sst s3  }
0xc: {  	[smem:$0x3FAB] =	sst s4  }
0xd: {  	[smem:$0x3FAC] =	sst s5  }
0xe: {  	[smem:$0x3FAD] =	sst s6  }
0xf: {  	[smem:$0x3FAE] =	sst s7  }
0x10: {  	[smem:$0x3FAF] =	sst s8  }
0x11: {  	[smem:$0x3FB0] =	sst s9;
	s0 =	simm.s32 @!p0 $0x0  }
0x12: {  	s1 =	sld [smem:$0x3F96];
	s0 =	simm.s32 @p0 $0x1  }
0x13: {  	[smem:$0x3FB1] =	sst s0;
	s0 =	simm.s32 @!p1 $0x0  }
0x14: {  	s2 =	sld [smem:$0x3F95];
	s0 =	simm.s32 @p1 $0x1  }
0x15: {  	[smem:$0x3FB2] =	sst s0;
	s0 =	simm.s32 @!p2 $0x0  }
0x16: {  	s3 =	sld [smem:$0x3FDB];
	s0 =	simm.s32 @p2 $0x1  }
0x17: {  	s4 =	simm.s32 $0x1BF5;
	[smem:$0x3FB4] =	sst s0  }
0x18: {  	s0 =	sld [smem:$0x3F97];
	_ =	swait.ge [sflag:s4], $0x0  }
0x19: {  	s7 =	sld [smem:$0x3F98]  }
0x1a: {  	s8 =	sadd.s32 $0xFFFFE003, lr  }
0x1b: {  	s9 =	sadd.s32 $0xFFFFFEF7, lr;
	s5 =	simm.s32 $0xFFFFFFFF;
	p2 =	slt.u32 s8, $0xFFFFF086  }
0x1c: {  	p1 =	slt.u32 s9, $0xF7A;
	s5 =	simm.s32 @!p2 $0x0  }
0x1d: {  	s5 =	simm.s32 @p1 $0x1;
	p0 =	seq.s32 s7, s2  }
0x1e: {  	s7 =	smul.u32 @!p0 $0xF7A, s2;
	p2 =	seq.s32 @!p0 s5, $0x0  }
0x1f: {  	s9 =	smul.u32 $0xF7A, s1;
	s8 =	simm.s32 @!p0 $0x1BF5;
	p2 =	por !p2, p0  }
0x20: {  	[sflag:s8] =	ssyncset.s32 @!p0 $0xFFFFF086;
	s6 =	sadd.s32 @!p0 s3, s7;
	s7 =	simm.s32 @!p0 $0x108  }
0x21: {  	s3 =	sadd.s32 s3, s9;
	s6 =	sadd.s32 @!p0 $0x88, s6;
	s7 =	simm.s32 @p2 $0x1082  }
0x22: {  	[simem:s7], [sflag:s8] =	dma.local @!p0 [hbm:s6], $0xF7A  }
0x23: {  	s9 =	sor.u32 $0xD0000000, s2;
	s6 =	simm.s32 $0x108;
	_ =	swait.ge @!p0 [sflag:s8], $0x0  }
0x24: {  	s3 =	sadd.s32 $0x88, s3;
	s6 =	simm.s32 @!p1 $0x1082;
	[sflag:s4] =	ssyncset.s32 $0xFFFFF086  }
0x25: {  	[simem:s6], [sflag:s4] =	dma.local [hbm:s3], $0xF7A  }
0x26: {  	[smem:$0x3F98] =	sst s1;
	(tag) =	ssettag s2;
	_ =	strace s9  }
0x27: {  	s1 =	sld [smem:$0x3FA8]  }
0x28: {  	s2 =	sld [smem:$0x3FA9]  }
0x29: {  	s4 =	sld [smem:$0x3FAB]  }
0x2a: {  	p0 =	seq.s32 s5, $0x0;
	s5 =	sld [smem:$0x3FAC]  }
0x2b: {  	s6 =	sld [smem:$0x3FAD]  }
0x2c: {  	s7 =	sld [smem:$0x3FAE]  }
0x2d: {  	s3 =	simm.s32 $0x108;
	s8 =	sld [smem:$0x3FAF]  }
0x2e: {  	s3 =	simm.s32 @!p0 $0x1082;
	s9 =	sld [smem:$0x3FB0]  }
0x2f: {  	lr =	sadd.s32 s0, s3;
	s0 =	sld [smem:$0x3FA7]  }
0x30: {  	s3 =	sld [smem:$0x3FAA]  }
0x31: {  	[smem:$0x3FB3] =	sst s10  }
0x32: {  	s10 =	sld [smem:$0x3FB1];
	_ =	sdelay $0x3  }
0x33: {  	p0 =	seq.s32 s10, $0x1;
	s10 =	sld [smem:$0x3FB3];
	_ =	sdelay $0x3  }
0x34: {  	[smem:$0x3FB3] =	sst s10  }
0x35: {  	s10 =	sld [smem:$0x3FB2];
	_ =	sdelay $0x3  }
0x36: {  	p1 =	seq.s32 s10, $0x1;
	s10 =	sld [smem:$0x3FB3];
	_ =	sdelay $0x3  }
0x37: {  	[smem:$0x3FB3] =	sst s10  }
0x38: {  	s10 =	sld [smem:$0x3FB4]  }
0x39: {  	_ = 	snop;
	(pc) =	sbr.ind lr, $3  }
0x3a: {  	_ = 	snop  }
0x3b: {  	_ = 	snop  }
0x3c: {  	p2 =	seq.s32 s10, $0x1;
	s10 =	sld [smem:$0x3FB3]  }
0x3d: {  	_ =	shalt  }
0x3e: {  	_ =	shalt  }
0x3f: {  	_ =	shalt  }
0x40: {  	_ =	shalt  }
0x41: {  	_ =	shalt  }
0x42: {  	_ =	shalt  }
0x43: {  	_ =	shalt  }
0x44: {  	_ =	shalt  }
0x45: {  	_ =	shalt  }
0x46: {  	_ =	shalt  }
0x47: {  	_ =	shalt  }
0x48: {  	_ =	shalt  }
0x49: {  	_ =	shalt  }
0x4a: {  	_ =	shalt  }
0x4b: {  	_ =	shalt  }
0x4c: {  	_ =	shalt  }
0x4d: {  	_ =	shalt  }
0x4e: {  	_ =	shalt  }
0x4f: {  	_ =	shalt  }
0x50: {  	_ =	shalt  }
0x51: {  	_ =	shalt  }
0x52: {  	_ =	shalt  }
0x53: {  	_ =	shalt  }
0x54: {  	_ =	shalt  }
0x55: {  	_ =	shalt  }
0x56: {  	_ =	shalt  }
0x57: {  	_ =	shalt  }
0x58: {  	_ =	shalt  }
0x59: {  	_ =	shalt  }
0x5a: {  	_ =	shalt  }
0x5b: {  	_ =	shalt  }
0x5c: {  	_ =	shalt  }
0x5d: {  	_ =	shalt  }
0x5e: {  	_ =	shalt  }
0x5f: {  	_ =	shalt  }
0x60: {  	_ =	shalt  }
0x61: {  	_ =	shalt  }
0x62: {  	_ =	shalt  }
0x63: {  	_ =	shalt  }
0x64: {  	_ =	shalt  }
0x65: {  	_ =	shalt  }
0x66: {  	_ =	shalt  }
0x67: {  	_ =	shalt  }
0x68: {  	_ =	shalt  }
0x69: {  	_ =	shalt  }
0x6a: {  	_ =	shalt  }
0x6b: {  	_ =	shalt  }
0x6c: {  	_ =	shalt  }
0x6d: {  	_ =	shalt  }
0x6e: {  	_ =	shalt  }
0x6f: {  	_ =	shalt  }
0x70: {  	_ =	shalt  }
0x71: {  	_ =	shalt  }
0x72: {  	_ =	shalt  }
0x73: {  	_ =	shalt  }
0x74: {  	_ =	shalt  }
0x75: {  	_ =	shalt  }
0x76: {  	_ =	shalt  }
0x77: {  	_ =	shalt  }
0x78: {  	_ =	shalt  }
0x79: {  	_ =	shalt  }
0x7a: {  	_ =	shalt  }
0x7b: {  	_ =	shalt  }
0x7c: {  	_ =	shalt  }
0x7d: {  	_ =	shalt  }
0x7e: {  	_ =	shalt  }
0x7f: {  	_ =	shalt  }
0x80: {  	_ =	shalt  }
0x81: {  	_ =	shalt  }
0x82: {  	_ =	shalt  }
0x83: {  	_ =	shalt  }
0x84: {  	_ =	shalt  }
0x85: {  	_ =	shalt  }
0x86: {  	_ =	shalt  }
0x87: {  	_ =	shalt  }
.Lfunc_end0:
.L_simem_size_0:
called_computation_lowered:
.L_overlay_start_0:
0x88: {  	s2 =	sld [smem:$0x3FD9]  }
0x89: {  	s3 =	sld [smem:$0x3FFE];
	_ =	sdelay $0x1  }
0x8a: {  	s1 =	srdreg.scid  }
0x8b: {  	s0 =	sand.u32 $0x1, s1  }
0x8c: {  	s17 =	sshll.u32 s0, $0xA;
	s2 =	sadd.s32 s3, s2  }
0x8d: {  	s2 =	sadd.s32 s2, s17  }
0x8e: {  	[smem:$0x3FBF] =	sst s2  }
0x8f: {  	_ = 	snop  }
0x90: {  	s2 =	sld [smem:$0x3FC9]  }
0x91: {  	s18 =	sld [smem:$0x3FD0];
	(tm) =	ssettm $0x1  }
0x92: {  	s4 =	sld [smem:$0x3FFB];
	_ =	sdelay $0x3  }
0x93: {  	_ =	strace s4  }
0x94: {  	s4 =	sld [smem:$0x3FFC];
	_ =	sdelay $0x3  }
0x95: {  	_ =	strace s4  }
0x96: {  	s4 =	sld [smem:$0x3FFD];
	_ =	sdelay $0x3  }
0x97: {  	_ =	strace s4  }
0x98: {  	_ =	strace $0x8FFFFFFF  }
0x99: {  	s19 =	sld [smem:$0x3FDB];
	_ =	sdelay $0x1  }
0x9a: {  	s5 =	simm.s32 $_scs_section_size  }
0x9b: {  	s6 =	simm.s32 $_size__tile_overlayer_lowered;
	s7 =	simm.s32 $_tile_overlayer_lowered  }
0x9c: {  	s22 =	simm.s32 $0x1BFF;
	s21 =	sshll.u32 s7, $0x1;
	s4 =	sadd.s32 s5, s19  }
0x9d: {  	s8 =	simm.s32 $0x0;
	s20 =	sshll.u32 s6, $0x1;
	s6 =	sadd.s32 s21, s4  }
0x9e: {  	[timem:s8], [sflag:s22] =	dma.local [hbm:s6], s20  }
0x9f: {  	_ =	swait.ge [sflag:s22], s20  }
0xa0: {  	s5 =	ssub.s32 $0x0, s20;
	[sflag:s22] =	ssyncset.done $0x0  }
0xa1: {  	[sflag:s22] =	ssyncadd.s32 s5;
	_ =	sdelay $0x1  }
0xa2: {  	s23 =	simm.s32 $0x1B8B  }
0xa3: {  	_ =	swait.ge [sflag:s23], $0x1  }
0xa4: {  	[sflag:s23] =	ssyncset.done $0x0  }
0xa5: {  	s25 =	simm.s32 $0x1B8E;
	s24 =	sld [smem:$0x3FFE];
	[sflag:s23] =	ssyncadd.s32 $0xFFFFFFFF  }
0xa6: {  	s26 =	simm.s32 $execute0_lowered;
	[smem:$0x3FD2] =	sst s25  }
0xa7: {  	s6 =	sshll.u32 s26, $0x1;
	_ =	strace $0x80000046;
	[dreg:$0x1] =	wrdreg $0xFFFFFFFF  }
0xa8: {  	s28 =	simm.s32 $_size_execute0_lowered;
	s4 =	sadd.s32 s4, s6;
	[dreg:$0x0] =	wrdreg $0x0  }
0xa9: {  	s6 =	sshll.u32 s28, $0x1;
	[dreg:$0x2] =	wrdreg s4  }
0xaa: {  	[dreg:$0x3] =	wrdreg s6  }
0xab: {  	[dreg:$0x4] =	wrdreg $0xC0  }
0xac: {  	_ =	task [dreg:s8], $0x5FFFF  }
0xad: {  	[dreg:$0x1] =	wrdreg $0xFFFFFFFF  }
0xae: {  	[dreg:$0x0] =	wrdreg $0x60  }
0xaf: {  	[dreg:$0x2] =	wrdreg s2  }
0xb0: {  	[dreg:$0x3] =	wrdreg s24  }
0xb1: {  	[dreg:$0x4] =	wrdreg s18  }
0xb2: {  	[dreg:$0x5] =	wrdreg $0x9  }
0xb3: {  	_ =	task.clear_ibuf [dreg:s8], $0x6FFFF;
	_ =	strace $0x90000046  }
0xb4: {  	s29 =	simm.s32 $0x9;
	_ =	strace $0x80000048  }
0xb5: {  	_ =	swait.ge [sflag:s29], $0x1  }
0xb6: {  	[sflag:s29] =	ssyncadd.s32 $0xFFFFFFFF  }
0xb7: {  	_ =	strace $0x90000048  }
0xb8: {  	_ =	sfence  }
0xb9: {  	s30 =	sld [smem:$0x0];
	_ =	sdelay $0x2  }
0xba: {  	s31 =	sshll.u32 s1, $0xD;
	s1 =	sshrl.u32 s1, $0x2  }
0xbb: {  	s3 =	sand.u32 $0x4000, s31;
	s1 =	sadd.s32 s1, s30  }
0xbc: {  	s0 =	sor.u32 s3, s0;
	s1 =	sshll.u32 s1, $0x11  }
0xbd: {  	s0 =	sor.u32 s1, s0  }
0xbe: {  	s0 =	sadd.s32 $0x8F2B, s0  }
0xbf: {  	[sflag:s0] =	ssyncadd.remote.s32 $0x1  }
0xc0: {  	_ =	sfence.sel $0xFFFF  }
0xc1: {  	[dreg:$0x0] =	wrdreg $0xFFFFFFFF;
	(pc) =	sbr.abs _section_cstart, $3  }
0xc2: {  	[dreg:$0x1] =	wrdreg $0xFFFFFFFF  }
0xc3: {  	_ =	task.clear_ibuf [dreg:s8], $0x2FFFF;
	_ =	strace $0x9FFFFFFF  }
0xc4: {  	(tm) =	ssettm $0x7FFFFFFF  }
0xc5: {  	_ =	shalt  }
tec
execute0_lowered:
.L_overlay_start_1:
0x0: {  	(tag) =	ssettag $0x1  }
0x1: {  	s2 =	rddreg [dreg:$0x0]  }
0x2: {  	s3 =	rddreg [dreg:$0x1]  }
0x3: {  	s4 =	rddreg [dreg:$0x2];
	s5 =	srdreg.scid  }
0x4: {  	s1 =	stileid.u32;
	s0 =	rddreg [dreg:$0x3]  }
0x5: {  	s11 =	simm.s32 $0x1;
	s12 =	simm.s32 $0x80;
	s13 =	simm.s32 $0x400  }
0x6: {  	s14 =	simm.s32 $0x1700;
	s15 =	simm.s32 $0x2;
	s16 =	simm.s32 $0x2600  }
0x7: {  	s17 =	simm.s32 $0x3500;
	s18 =	simm.s32 $0x4400;
	s19 =	simm.s32 $0x0  }
.Ltmp0:
0x8: {  	s6 =	sand.u32 $0x1, s5;
	s7 =	sshll.u32 s1, $0x1;
	(pc) =	sbr.rel .LBB2_1-.Ltmp0, $4  }
0x9: {  	s5 =	simm.s32 $0x0;
	s8 =	ssub.s32 $0x2, s6;
	s6 =	sor.u32 s6, s7  }
0xa: {  	[smem:$0x7FF] =	sst s5;
	s31 =	sshrl.u32 s8, $0x1;
	s9 =	sshll.u32 s6, $0x7  }
0xb: {  	_ =	strace $0x80000047;
	s10 =	ssub.s32 s8, s31;
	s7 =	sand.u32 $0x380, s9  }
0xc: {  	v0 =	vlaneseq.u32;
	s8 =	sor.u32 $0x7E9000, s7;
	s9 =	sor.u32 $0xFD2000, s7;
	s10 =	smax.u32 s10, $0x1  }
.LBB2_9:
0xd: {  	s19 =	sadd.s32 $0x1, s19  }
0xe: {  	p0 =	sne.s32 s19, s10  }
.Ltmp1:
0xf: {  	_ = 	snop;
	(pc) =	sbr.rel @!p0 .LBB2_10-.Ltmp1, $1  }
0x10: {  	_ =	sdelay $0x3  }
.LBB2_1:
0x11: {  	[tilespmem:s5], [sflag:$0x1] =	stream.linear.gather [hbm4b:s3+s5], $0x800, $0x38;
	[tilespmem:$0x5300] =	vst v63  }
0x12: {  	v1 =	vor.u32 s5, v0;
	s20 =	simm.s32 $0x10;
	_ =	swait.ge [sflag:s11], $0x800  }
0x13: {  	s21 =	simm.s32 $0x20;
	s22 =	simm.s32 $0x30;
	v3 =	vcvt.s32.f32 v1;
	v1 =	vor.u32 s20, v0;
	[sflag:s11] =	ssyncset.done $0x0  }
0x14: {  	s20 =	simm.s32 $0x820;
	v2 =	vor.u32 s21, v0;
	v4 =	vor.u32 s22, v0;
	v1 =	vcvt.s32.f32 v1;
	[sflag:s11] =	ssyncadd.s32 $0xFFFFF800  }
0x15: {  	s23 =	simm.s32 $0x820;
	s21 =	simm.s32 $0x0;
	s22 =	simm.s32 $0x0;
	v2 =	vcvt.s32.f32 v2;
	[tilespmem:s20+$0xFFFFFFE0] =	vst v3;
	v3 =	vcvt.s32.f32 v4  }
.LBB2_2:
0x16: {  	s21 =	sadd.s32 $0x4, s21  }
0x17: {  	[tilespmem:s20+$0x0] =	vst v2;
	s22 =	sadd.s32 $0x40, s22;
	s23 =	sadd.s32 $0x40, s23;
	p0 =	slt.u32 s21, $0xEC  }
.Ltmp2:
0x18: {  	[tilespmem:s20+$0x10] =	vst v3;
	(pc) =	sbr.rel @p0 .LBB2_2-.Ltmp2, $4  }
0x19: {  	v2 =	vor.u32 s22, v0;
	s24 =	sadd.s32 $0x10, s22;
	s25 =	sadd.s32 $0x20, s22;
	s26 =	sadd.s32 $0x30, s22;
	[tilespmem:s20+$0xFFFFFFF0] =	vst v1  }
0x1a: {  	v3 =	vcvt.s32.f32 v2;
	v1 =	vor.u32 s24, v0;
	v2 =	vor.u32 s25, v0;
	s20 =	smov.u32 s23  }
0x1b: {  	v4 =	vor.u32 s26, v0;
	v1 =	vcvt.s32.f32 v1;
	v2 =	vcvt.s32.f32 v2  }
0x1c: {  	[tilespmem:s23+$0xFFFFFFE0] =	vst v3;
	v3 =	vcvt.s32.f32 v4  }
0x1d: {  	[tilespmem:s20+$0x0] =	vst v2  }
0x1e: {  	[tilespmem:s20+$0xFFFFFFF0] =	vst v1  }
0x1f: {  	[tilespmem:s20+$0x10] =	vst v3  }
0x20: {  	v1 =	vld [tilespmem:$0x0]  }
0x21: {  	v2 =	vld [tilespmem:$0x80]  }
0x22: {  	v3 =	vld [tilespmem:$0x100]  }
0x23: {  	v4 =	vld [tilespmem:$0x180]  }
0x24: {  	v5 =	vld [tilespmem:$0x200]  }
0x25: {  	v6 =	vld [tilespmem:$0x280]  }
0x26: {  	v7 =	vld [tilespmem:$0x300]  }
0x27: {  	v8 =	vld [tilespmem:$0x380]  }
0x28: {  	v9 =	vld [tilespmem:$0x400]  }
.Ltmp3:
0x29: {  	v10 =	vld [tilespmem:$0x480];
	(pc) =	sbr.rel .LBB2_4-.Ltmp3, $4  }
0x2a: {  	v11 =	vld [tilespmem:$0x500]  }
0x2b: {  	v12 =	vld [tilespmem:$0x580]  }
0x2c: {  	v13 =	vld [tilespmem:$0x600]  }
0x2d: {  	s20 =	simm.s32 $0x0;
	v14 =	vld [tilespmem:$0x680]  }
.LBB2_8:
0x2e: {  	s20 =	sadd.s32 $0x1, s20  }
0x2f: {  	p0 =	sne.s32 s20, $0x44  }
.Ltmp4:
0x30: {  	_ = 	snop;
	(pc) =	sbr.rel @!p0 .LBB2_9-.Ltmp4, $1  }
0x31: {  	_ =	sdelay $0x3  }
.LBB2_4:
0x32: {  	s21 =	sshll.u32 s20, $0x5  }
0x33: {  	s23 =	sor.u32 s6, s21  }
0x34: {  	p0 =	sgt.u32 s23, $0x86F  }
.Ltmp5:
0x35: {  	_ = 	snop;
	(pc) =	sbr.rel @p0 .LBB2_8-.Ltmp5, $1  }
0x36: {  	_ =	sdelay $0x3  }
0x37: {  	s21 =	sshrl.u32 s23, $0x3  }
0x38: {  	s21 =	smul.u32 $0x7800, s21;
	_ =	sdelay $0x1  }
0x39: {  	s22 =	sor.u32 s7, s21  }
0x3a: {  	s22 =	sshrl.u32 s22, $0x3  }
0x3b: {  	s24 =	sadd.s32 s2, s22  }
0x3c: {  	[tilespmem:s14], [sflag:$0x2] =	stream.strided.gather [hbm4b:s24+s12], $0xF00, s13, s12, $0x38;
	[tilespmem:$0x5300] =	vst v63  }
0x3d: {  	_ =	swait.ge [sflag:s15], $0xF00  }
0x3e: {  	[sflag:s15] =	ssyncset.done $0x0  }
0x3f: {  	v15 =	vmov s23;
	s25 =	simm.s32 $0x1710;
	[sflag:s15] =	ssyncadd.s32 $0xFFFFF100  }
0x40: {  	s26 =	simm.s32 $0x810;
	v15 =	vcvt.s32.f32 v15;
	v16 =	vld [tilespmem:s25+$0xFFFFFFF0]  }
0x41: {  	v18 =	vld [tilespmem:s26+$0xFFFFFFF0]  }
0x42: {  	v15 =	vbroadcast v15, $0x0;
	_ =	sdelay $0x1  }
0x43: {  	v17 =	vmul.f32 v15, v6  }
0x44: {  	v19 =	vmul.f32 v15, v7;
	v20 =	vmul.f32 v15, v8  }
0x45: {  	v15 =	vadd.f32 v17, v9;
	v21 =	vmul.f32 v16, v1;
	v22 =	vmul.f32 v18, v3  }
0x46: {  	v17 =	vadd.f32 v20, v11;
	v16 =	vadd.f32 v19, v10;
	v19 =	vmul.f32 v18, v4  }
0x47: {  	v18 =	vmul.f32 v18, v5;
	v20 =	vadd.f32 v21, v2;
	v62 =	vadd.f32 v22, v15  }
0x48: {  	v19 =	vadd.f32 v19, v16  }
0x49: {  	v18 =	vadd.f32 v18, v17;
	v21 =	vmul.f32 v62, v20  }
0x4a: {  	v19 =	vmul.f32 v19, v20  }
0x4b: {  	v18 =	vmul.f32 v18, v20;
	v20 =	vadd.f32 v21, v12  }
0x4c: {  	s28 =	simm.s32 $0x2610;
	v19 =	vadd.f32 v19, v13  }
0x4d: {  	s23 =	simm.s32 $0x3510;
	v18 =	vadd.f32 v18, v14;
	[tilespmem:s28+$0xFFFFFFF0] =	vst v20  }
0x4e: {  	s24 =	simm.s32 $0x4410;
	[tilespmem:s23+$0xFFFFFFF0] =	vst v19  }
0x4f: {  	[tilespmem:s24+$0xFFFFFFF0] =	vst v18  }
0x50: {  	v18 =	vld [tilespmem:s25+$0x0]  }
0x51: {  	v19 =	vld [tilespmem:s26+$0x0];
	_ =	sdelay $0x4  }
0x52: {  	v18 =	vmul.f32 v18, v1;
	v20 =	vmul.f32 v19, v3  }
0x53: {  	v63 =	vmul.f32 v19, v4  }
0x54: {  	v19 =	vmul.f32 v19, v5;
	v18 =	vadd.f32 v18, v2;
	v20 =	vadd.f32 v20, v15  }
0x55: {  	v21 =	vadd.f32 v63, v16  }
0x56: {  	v19 =	vadd.f32 v19, v17;
	v20 =	vmul.f32 v20, v18  }
0x57: {  	v21 =	vmul.f32 v21, v18  }
0x58: {  	v18 =	vmul.f32 v19, v18;
	v20 =	vadd.f32 v20, v12  }
0x59: {  	s30 =	simm.s32 $0x1730;
	s29 =	simm.s32 $0x4410;
	v19 =	vadd.f32 v21, v13  }
0x5a: {  	s25 =	simm.s32 $0x0;
	s26 =	simm.s32 $0x2630;
	v18 =	vadd.f32 v18, v14;
	[tilespmem:s28+$0x0] =	vst v20;
	s28 =	simm.s32 $0x830  }
.LBB2_6:
0x5b: {  	s25 =	sadd.s32 $0x2, s25;
	[tilespmem:s23+$0x0] =	vst v19;
	s24 =	sadd.s32 $0x20, s24;
	s23 =	sadd.s32 $0x20, s23  }
0x5c: {  	p0 =	slt.u32 s25, $0xEE;
	[tilespmem:s29+$0x0] =	vst v18;
	s29 =	smov.u32 s24  }
0x5d: {  	v18 =	vld [tilespmem:s30+$0xFFFFFFF0]  }
0x5e: {  	v19 =	vld [tilespmem:s28+$0xFFFFFFF0];
	_ =	sdelay $0x3  }
0x5f: {  	v18 =	vmul.f32 v18, v1  }
0x60: {  	v20 =	vmul.f32 v19, v3;
	v21 =	vmul.f32 v19, v4  }
0x61: {  	v19 =	vmul.f32 v19, v5  }
0x62: {  	v18 =	vadd.f32 v18, v2;
	v20 =	vadd.f32 v20, v15  }
0x63: {  	v21 =	vadd.f32 v21, v16;
	v19 =	vadd.f32 v19, v17  }
0x64: {  	v20 =	vmul.f32 v20, v18  }
0x65: {  	v21 =	vmul.f32 v21, v18;
	v18 =	vmul.f32 v19, v18  }
0x66: {  	v19 =	vadd.f32 v20, v12  }
0x67: {  	v20 =	vadd.f32 v21, v13  }
0x68: {  	v18 =	vadd.f32 v18, v14;
	[tilespmem:s26+$0xFFFFFFF0] =	vst v19  }
0x69: {  	[tilespmem:s23+$0xFFFFFFF0] =	vst v20  }
0x6a: {  	[tilespmem:s24+$0xFFFFFFF0] =	vst v18  }
0x6b: {  	v18 =	vld [tilespmem:s30+$0x0]  }
0x6c: {  	v19 =	vld [tilespmem:s28+$0x0];
	_ =	sdelay $0x3  }
0x6d: {  	v18 =	vmul.f32 v18, v1  }
0x6e: {  	v20 =	vmul.f32 v19, v3;
	v21 =	vmul.f32 v19, v4  }
0x6f: {  	v19 =	vmul.f32 v19, v5;
	v18 =	vadd.f32 v18, v2  }
0x70: {  	v20 =	vadd.f32 v20, v15;
	v21 =	vadd.f32 v21, v16  }
0x71: {  	v19 =	vadd.f32 v19, v17  }
.Ltmp6:
0x72: {  	v20 =	vmul.f32 v20, v18;
	v21 =	vmul.f32 v21, v18;
	(pc) =	sbr.rel @p0 .LBB2_6-.Ltmp6, $4  }
0x73: {  	v18 =	vmul.f32 v19, v18  }
0x74: {  	v20 =	vadd.f32 v20, v12;
	v19 =	vadd.f32 v21, v13  }
0x75: {  	v18 =	vadd.f32 v18, v14  }
0x76: {  	s30 =	sadd.s32 $0x20, s30;
	s28 =	sadd.s32 $0x20, s28;
	[tilespmem:s26+$0x0] =	vst v20;
	s26 =	sadd.s32 $0x20, s26  }
0x77: {  	[tilespmem:s23+$0x0] =	vst v19  }
0x78: {  	s22 =	sadd.s32 s4, s22;
	[tilespmem:s29+$0x0] =	vst v18  }
0x79: {  	[hbm4b:s22+s12] =	stream.strided.scatter [tilespmem:s16], [sflag:$0x2], $0xF00, s13, s12, $0x38;
	[tilespmem:$0x5300] =	vst v63  }
0x7a: {  	s30 =	sadd.s32 s8, s21;
	_ =	swait.ge [sflag:s15], $0xF00  }
0x7b: {  	s22 =	sshrl.u32 s30, $0x3;
	[sflag:s15] =	ssyncset.done $0x0  }
0x7c: {  	s22 =	sadd.s32 s4, s22;
	[sflag:s15] =	ssyncadd.s32 $0xFFFFF100  }
0x7d: {  	[hbm4b:s22+s12] =	stream.strided.scatter [tilespmem:s17], [sflag:$0x2], $0xF00, s13, s12, $0x38;
	[tilespmem:$0x5300] =	vst v63  }
0x7e: {  	s31 =	sadd.s32 s9, s21;
	_ =	swait.ge [sflag:s15], $0xF00  }
0x7f: {  	s21 =	sshrl.u32 s31, $0x3;
	[sflag:s15] =	ssyncset.done $0x0  }
.Ltmp7:
0x80: {  	s21 =	sadd.s32 s4, s21;
	[sflag:s15] =	ssyncadd.s32 $0xFFFFF100;
	(pc) =	sbr.rel .LBB2_8-.Ltmp7, $4  }
0x81: {  	[hbm4b:s21+s12] =	stream.strided.scatter [tilespmem:s18], [sflag:$0x1], $0xF00, s13, s12, $0x38;
	[tilespmem:$0x5300] =	vst v63  }
0x82: {  	_ =	swait.ge [sflag:s11], $0xF00  }
0x83: {  	[sflag:s11] =	ssyncset.done $0x0  }
0x84: {  	[sflag:s11] =	ssyncadd.s32 $0xFFFFF100  }
.LBB2_10:
0x85: {  	_ =	sfence.sel $0x180000  }
0x86: {  	[bflag:$0x0] =	sbarrier.arrive $0xFFFF  }
0x87: {  	p0 =	sne.s32 s1, $0x0;
	_ =	strace $0x90000047  }
0x88: {  	s0 =	sadd.s32 @!p0 $0x100000, s0;
	[bflag:$0x2] =	sbarrier.arrive $0xFFFF  }
0x89: {  	[sflag:s0] =	ssyncadd.tile.s32 @!p0 $0x1;
	_ =	shalt  }
.Lfunc_end2:
_tile_overlayer_lowered:
.L_overlay_start_2:
0x8a: {  	(tag) =	ssettag $0x2  }
0x8b: {  	s0 =	rddreg [dreg:$0x0];
	s2 =	stileid.u32  }
0x8c: {  	s1 =	rddreg [dreg:$0x1];
	p0 =	sne.s32 s2, $0x0  }
0x8d: {  	s3 =	rddreg [dreg:$0x2];
	[bflag:$0x3] =	sbarrier.arrive $0xFFFF;
	s2 =	simm.s32 @!p0 $0x1C01  }
0x8e: {  	[timem:s3], [sflag:s2] =	dma.local @!p0 [hbm:s0], s1  }
0x8f: {  	s0 =	simm.s32 @!p0 $0x1  }
0x90: {  	_ =	swait.ge @!p0 [sflag:s0], s1  }
0x91: {  	s1 =	ssub.s32 @!p0 $0x0, s1;
	[sflag:s0] =	ssyncset.done @!p0 $0x0  }
0x92: {  	[sflag:s0] =	ssyncadd.s32 @!p0 s1  }
0x93: {  	[bflag:$0x3] =	sbarrier.arrive $0xFFFF  }
0x94: {  	_ =	shalt  }

</sc_bundles>
